<compile_context>
chip_gen: v7x
topology: tpu7x:2x2x1
jax: 0.10.2.dev20260603
libtpu: 0.0.44.dev20260713+nightly
codegen_flags: <defaults>
</compile_context>

<pallas_src>
import jax
import jax.numpy as jnp
from jax.experimental import pallas as pl


_INV_PI = 0.31830987334251404
_PI_HI = 3.140625
_PI_MID = 0.0009676536
_C1 = 0.99999749
_C3 = -0.16665168
_C5 = 0.0083095146
_C7 = -0.00018447153


def _fast_sin(x):
    kf = jnp.round(x * _INV_PI)
    r = (x - kf * _PI_HI) - kf * _PI_MID
    s = r * r
    p = r * (_C1 + s * (_C3 + s * (_C5 + s * _C7)))
    ki = kf.astype(jnp.int32)
    signbit = jax.lax.shift_left(ki, 31)
    return jax.lax.bitcast_convert_type(
        jax.lax.bitcast_convert_type(p, jnp.int32) ^ signbit, jnp.float32)


def _siren_block(x_ref, sw_ref, bt_ref, out_ref):
    pre = jnp.dot(x_ref[...], sw_ref[...], preferred_element_type=jnp.float32)
    out_ref[...] = _fast_sin(pre + bt_ref[...])


def kernel(coords, W, b):
    B, N, D = coords.shape
    C = W.shape[1]
    G = 128 // C
    rows = (B * N) // G
    x = coords.reshape(rows, G * D)

    j = jnp.arange(G * D)
    l = jnp.arange(G * C)
    mask = ((l[None, :] // C) == (j[:, None] // D)).astype(jnp.float32)
    Sw = mask * W[j[:, None] % D, l[None, :] % C]
    bt = jnp.tile(b, G)[None, :]

    BR = 2048
    grid = rows // BR
    out = pl.pallas_call(
        _siren_block,
        grid=(grid,),
        in_specs=[
            pl.BlockSpec((BR, G * D), lambda i: (i, 0)),
            pl.BlockSpec((G * D, G * C), lambda i: (0, 0)),
            pl.BlockSpec((1, G * C), lambda i: (0, 0)),
        ],
        out_specs=pl.BlockSpec((BR, G * C), lambda i: (i, 0)),
        out_shape=jax.ShapeDtypeStruct((rows, G * C), jnp.float32),
    )(x, Sw, bt)
    return out.reshape(B, N, C)

# --- scband reference (transcript-rebuilt; emitter-appended) ---
"""Pipeline reference for scband-inrbatch-5892695130287 (READ-ONLY COPY).

The authoritative reference and input builder live on the scoring server;
editing this copy changes nothing except your own understanding.
"""

import jax, jax.numpy as jnp
import numpy as np


def setup_inputs(seed: int = 0) -> dict:
    key = jax.random.key(seed)
    k1, k2, k3 = jax.random.split(key, 3)
    # coords: batch of sampled coordinates in the INR domain (-1, 1)
    coords = jax.random.uniform(k1, (4, 262144, 2), dtype=jnp.float32, minval=-1.0, maxval=1.0)
    # learned evaluator parameters (SIREN-style first layer: input_dims -> channels)
    W = jax.random.normal(k2, (2, 32), dtype=jnp.float32) * (1.0 / np.sqrt(2.0)) * 30.0
    b = jax.random.normal(k3, (32,), dtype=jnp.float32) * 0.1
    return {"coords": coords, "W": W, "b": b}


def reference(coords, W, b):
    # INRBatch.forward(coords) -> self._forward(coords):
    #   out = self.evaluator(coords); integrator is None, modifiers empty,
    #   so the output is the evaluator's per-coordinate values with
    #   shape [batch, n_points, channels]. The evaluator is modeled as a
    #   sinusoidal (SIREN) coordinate network layer: sin(coords @ W + b).
    out = jnp.sin(jnp.einsum('bnd,dc->bnc', coords, W) + b)
    return out

if __name__ == "__main__":
    import jax
    _d = setup_inputs()
    print(jax.jit(kernel)(*tuple(_d.values())))

</pallas_src>

<mosaic_0001>
module attributes {stable_mosaic.version = 14 : i64} {
  func.func @_siren_block(%arg0: i32, %arg1: memref<2048x8xf32, #tpu.memory_space<vmem>>, %arg2: memref<8x128xf32, #tpu.memory_space<vmem>>, %arg3: memref<1x128xf32, #tpu.memory_space<vmem>>, %arg4: memref<2048x128xf32, #tpu.memory_space<vmem>>) attributes {dimension_semantics = [#tpu.dimension_semantics<arbitrary>], iteration_bounds = array<i64: 128>, scalar_prefetch = 0 : i64, scratch_operands = 0 : i64, tpu.core_type = #tpu.core_type<tc>, window_params = [{transform_indices = @transform_0, window_bounds = array<i64: 2048, 8>}, {pipeline_mode = #tpu.pipeline_mode<synchronous>, transform_indices = @transform_1, window_bounds = array<i64: 8, 128>}, {pipeline_mode = #tpu.pipeline_mode<synchronous>, transform_indices = @transform_2, window_bounds = array<i64: 1, 128>}, {transform_indices = @transform_3, window_bounds = array<i64: 2048, 128>}]} {
    %get3A = arith.constant 0 : index
    %get3A_0 = arith.constant 0 : index
    %get3A_1 = vector.load %arg1[%get3A, %get3A_0] : memref<2048x8xf32, #tpu.memory_space<vmem>>, vector<2048x8xf32>
    %get3A_2 = arith.constant 0 : index
    %get3A_3 = arith.constant 0 : index
    %get3A_4 = vector.load %arg2[%get3A_2, %get3A_3] : memref<8x128xf32, #tpu.memory_space<vmem>>, vector<8x128xf32>
    %dot_general3A = arith.constant dense<0.000000e+00> : vector<2048x128xf32>
    %dot_general3A_5 = tpu.matmul %get3A_1, %get3A_4, %dot_general3A {dimension_numbers = #tpu.dot_dimension_numbers<[1], [0], [0], [1], [0, 0, 1, 1], [], []>, transpose_lhs_hint = false} : vector<2048x8xf32>, vector<8x128xf32>, vector<2048x128xf32> -> vector<2048x128xf32>
    %get3A_6 = arith.constant 0 : index
    %get3A_7 = arith.constant 0 : index
    %get3A_8 = vector.load %arg3[%get3A_6, %get3A_7] : memref<1x128xf32, #tpu.memory_space<vmem>>, vector<1x128xf32>
    %add3A = vector.broadcast %get3A_8 : vector<1x128xf32> to vector<2048x128xf32>
    %add3A_9 = arith.addf %dot_general3A_5, %add3A : vector<2048x128xf32>
    %mul3A = arith.constant 0.318309873 : f32
    %mul3A_10 = vector.broadcast %mul3A : f32 to vector<2048x128xf32>
    %mul3A_11 = arith.mulf %add3A_9, %mul3A_10 : vector<2048x128xf32>
    %round3A = math.roundeven %mul3A_11 : vector<2048x128xf32>
    %mul3A_12 = arith.constant 3.140625 : f32
    %mul3A_13 = vector.broadcast %mul3A_12 : f32 to vector<2048x128xf32>
    %mul3A_14 = arith.mulf %round3A, %mul3A_13 : vector<2048x128xf32>
    %sub3A = arith.subf %add3A_9, %mul3A_14 : vector<2048x128xf32>
    %mul3A_15 = arith.constant 9.67653584E-4 : f32
    %mul3A_16 = vector.broadcast %mul3A_15 : f32 to vector<2048x128xf32>
    %mul3A_17 = arith.mulf %round3A, %mul3A_16 : vector<2048x128xf32>
    %sub3A_18 = arith.subf %sub3A, %mul3A_17 : vector<2048x128xf32>
    %mul3A_19 = arith.mulf %sub3A_18, %sub3A_18 : vector<2048x128xf32>
    %mul3A_20 = arith.constant -1.8447153E-4 : f32
    %mul3A_21 = vector.broadcast %mul3A_20 : f32 to vector<2048x128xf32>
    %mul3A_22 = arith.mulf %mul3A_19, %mul3A_21 : vector<2048x128xf32>
    %add3A_23 = arith.constant 0.00830951426 : f32
    %add3A_24 = vector.broadcast %add3A_23 : f32 to vector<2048x128xf32>
    %add3A_25 = arith.addf %add3A_24, %mul3A_22 : vector<2048x128xf32>
    %mul3A_26 = arith.mulf %mul3A_19, %add3A_25 : vector<2048x128xf32>
    %add3A_27 = arith.constant -0.166651681 : f32
    %add3A_28 = vector.broadcast %add3A_27 : f32 to vector<2048x128xf32>
    %add3A_29 = arith.addf %add3A_28, %mul3A_26 : vector<2048x128xf32>
    %mul3A_30 = arith.mulf %mul3A_19, %add3A_29 : vector<2048x128xf32>
    %add3A_31 = arith.constant 0.999997496 : f32
    %add3A_32 = vector.broadcast %add3A_31 : f32 to vector<2048x128xf32>
    %add3A_33 = arith.addf %add3A_32, %mul3A_30 : vector<2048x128xf32>
    %mul3A_34 = arith.mulf %sub3A_18, %add3A_33 : vector<2048x128xf32>
    %convert_element_type3A = arith.fptosi %round3A : vector<2048x128xf32> to vector<2048x128xi32>
    %shift_left3A = arith.constant 31 : i32
    %shift_left3A_35 = vector.broadcast %shift_left3A : i32 to vector<2048x128xi32>
    %shift_left3A_36 = arith.shli %convert_element_type3A, %shift_left3A_35 : vector<2048x128xi32>
    %bitcast_convert_type3A = tpu.bitcast %mul3A_34 : vector<2048x128xf32> -> vector<2048x128xi32>
    %xor3A = arith.xori %bitcast_convert_type3A, %shift_left3A_36 : vector<2048x128xi32>
    %bitcast_convert_type3A_37 = tpu.bitcast %xor3A : vector<2048x128xi32> -> vector<2048x128xf32>
    %swap3A = arith.constant 0 : index
    %swap3A_38 = arith.constant 0 : index
    %swap3A_39 = vector.load %arg4[%swap3A, %swap3A_38] : memref<2048x128xf32, #tpu.memory_space<vmem>>, vector<2048x128xf32>
    tpu.vector_store %arg4[%swap3A, %swap3A_38], %bitcast_convert_type3A_37 {strides = array<i32>} : memref<2048x128xf32, #tpu.memory_space<vmem>>, vector<2048x128xf32>,
    return
  }
  func.func @transform_0(%arg0: i32) -> (i32, i32) {
    %c0_i32 = arith.constant 0 : i32
    %c0_i32_0 = arith.constant 0 : i32
    return %arg0, %c0_i32 : i32, i32
  }
  func.func @transform_1(%arg0: i32) -> (i32, i32) {
    %c0_i32 = arith.constant 0 : i32
    %c0_i32_0 = arith.constant 0 : i32
    %c0_i32_1 = arith.constant 0 : i32
    return %c0_i32, %c0_i32_0 : i32, i32
  }
  func.func @transform_2(%arg0: i32) -> (i32, i32) {
    %c0_i32 = arith.constant 0 : i32
    %c0_i32_0 = arith.constant 0 : i32
    %c0_i32_1 = arith.constant 0 : i32
    return %c0_i32, %c0_i32_0 : i32, i32
  }
  func.func @transform_3(%arg0: i32) -> (i32, i32) {
    %c0_i32 = arith.constant 0 : i32
    %c0_i32_0 = arith.constant 0 : i32
    return %arg0, %c0_i32 : i32, i32
  }
}

</mosaic_0001>

<sc_bundles>
// kernel: sparse-core-data-format-call.cloned.1.call-start
scs
called_computation_lowered:
.L_overlay_start_0:
0x0: {  	s2 =	sld [smem:$0x3FD9]  }
0x1: {  	s3 =	sld [smem:$0x3FFE];
	_ =	sdelay $0x1  }
0x2: {  	s1 =	srdreg.scid  }
0x3: {  	s0 =	sand.u32 $0x1, s1  }
0x4: {  	s18 =	sshll.u32 s0, $0xA;
	s2 =	sadd.s32 s3, s2  }
0x5: {  	s2 =	sadd.s32 s2, s18  }
0x6: {  	[smem:$0x3FC5] =	sst s2  }
0x7: {  	_ = 	snop  }
0x8: {  	s2 =	sld [smem:$0x3FD0];
	(tm) =	ssettm $0x1  }
0x9: {  	s19 =	sld [smem:$0x3FFB];
	_ =	sdelay $0x3  }
0xa: {  	_ =	strace s19  }
0xb: {  	s3 =	sld [smem:$0x3FFC];
	_ =	sdelay $0x3  }
0xc: {  	_ =	strace s3  }
0xd: {  	s3 =	sld [smem:$0x3FFD];
	_ =	sdelay $0x3  }
0xe: {  	_ =	strace s3  }
0xf: {  	_ =	strace $0x8FFFFFFF  }
0x10: {  	s20 =	sld [smem:$0x3FDB];
	_ =	sdelay $0x1  }
0x11: {  	s4 =	simm.s32 $_scs_section_size  }
0x12: {  	s5 =	simm.s32 $_size__tile_overlayer_lowered;
	s6 =	simm.s32 $_tile_overlayer_lowered  }
0x13: {  	s23 =	simm.s32 $0x1BFF;
	s22 =	sshll.u32 s6, $0x1;
	s3 =	sadd.s32 s4, s20  }
0x14: {  	s7 =	simm.s32 $0x0;
	s21 =	sshll.u32 s5, $0x1;
	s5 =	sadd.s32 s22, s3  }
0x15: {  	[timem:s7], [sflag:s23] =	dma.local [hbm:s5], s21  }
0x16: {  	_ =	swait.ge [sflag:s23], s21  }
0x17: {  	s4 =	ssub.s32 $0x0, s21;
	[sflag:s23] =	ssyncset.done $0x0  }
0x18: {  	[sflag:s23] =	ssyncadd.s32 s4;
	_ =	sdelay $0x1  }
0x19: {  	s24 =	simm.s32 $0x1B8B  }
0x1a: {  	_ =	swait.ge [sflag:s24], $0x1  }
0x1b: {  	[sflag:s24] =	ssyncset.done $0x0  }
0x1c: {  	s26 =	simm.s32 $0x1B8E;
	s25 =	sld [smem:$0x3FFE];
	[sflag:s24] =	ssyncadd.s32 $0xFFFFFFFF  }
0x1d: {  	s27 =	simm.s32 $execute0_lowered;
	[smem:$0x3FD2] =	sst s26  }
0x1e: {  	s5 =	sshll.u32 s27, $0x1;
	_ =	strace $0x80000046;
	[dreg:$0x1] =	wrdreg $0xFFFFFFFF  }
0x1f: {  	s28 =	simm.s32 $_size_execute0_lowered;
	s3 =	sadd.s32 s3, s5;
	[dreg:$0x0] =	wrdreg $0x0  }
0x20: {  	s5 =	sshll.u32 s28, $0x1;
	[dreg:$0x2] =	wrdreg s3  }
0x21: {  	[dreg:$0x3] =	wrdreg s5  }
0x22: {  	[dreg:$0x4] =	wrdreg $0xC0  }
0x23: {  	_ =	task [dreg:s7], $0x5FFFF  }
0x24: {  	[dreg:$0x1] =	wrdreg $0xFFFFFFFF  }
0x25: {  	[dreg:$0x0] =	wrdreg $0x60  }
0x26: {  	[dreg:$0x2] =	wrdreg s25  }
0x27: {  	[dreg:$0x3] =	wrdreg s2  }
0x28: {  	[dreg:$0x4] =	wrdreg $0x9  }
0x29: {  	_ =	task.clear_ibuf [dreg:s7], $0x5FFFF;
	_ =	strace $0x90000046  }
0x2a: {  	s29 =	simm.s32 $0x9;
	_ =	strace $0x80000048  }
0x2b: {  	_ =	swait.ge [sflag:s29], $0x1  }
0x2c: {  	[sflag:s29] =	ssyncadd.s32 $0xFFFFFFFF  }
0x2d: {  	_ =	strace $0x90000048  }
0x2e: {  	_ =	sfence  }
0x2f: {  	s30 =	sld [smem:$0x0];
	_ =	sdelay $0x2  }
0x30: {  	s31 =	sshll.u32 s1, $0xD;
	s1 =	sshrl.u32 s1, $0x2  }
0x31: {  	s3 =	sand.u32 $0x4000, s31;
	s1 =	sadd.s32 s1, s30  }
0x32: {  	s0 =	sor.u32 s3, s0;
	s1 =	sshll.u32 s1, $0x11  }
0x33: {  	s0 =	sor.u32 s1, s0  }
0x34: {  	s0 =	sadd.s32 $0x8F2B, s0  }
0x35: {  	[sflag:s0] =	ssyncadd.remote.s32 $0x1  }
0x36: {  	_ =	sfence.sel $0xFFFF  }
0x37: {  	[dreg:$0x0] =	wrdreg $0xFFFFFFFF;
	(pc) =	sbr.abs _section_cstart, $3  }
0x38: {  	[dreg:$0x1] =	wrdreg $0xFFFFFFFF  }
0x39: {  	_ =	task.clear_ibuf [dreg:s7], $0x2FFFF;
	_ =	strace $0x9FFFFFFF  }
0x3a: {  	(tm) =	ssettm $0x7FFFFFFF  }
0x3b: {  	_ =	shalt  }
tec
execute0_lowered:
.L_overlay_start_1:
0x0: {  	(tag) =	ssettag $0x1  }
0x1: {  	s9 =	rddreg [dreg:$0x0]  }
0x2: {  	s0 =	srdreg.scid;
	s2 =	rddreg [dreg:$0x1];
	s5 =	simm.s32 $0x1  }
0x3: {  	s8 =	simm.s32 $0x2;
	s15 =	simm.s32 $0x0;
	s1 =	sshll.u32 s0, $0x4  }
0x4: {  	s11 =	simm.s32 $0x200000;
	s0 =	stileid.u32;
	s1 =	sand.u32 $0x10, s1  }
0x5: {  	s16 =	simm.s32 $0x0;
	s13 =	simm.s32 $0x0;
	s3 =	sor.u32 s0, s1  }
0x6: {  	s14 =	simm.s32 $0x0;
	s4 =	sadd.s32 $0x401000, s9;
	s3 =	sshll.u32 s3, $0x7  }
0x7: {  	s1 =	rddreg [dreg:$0x2];
	_ =	strace $0x80000047;
	s6 =	ssub.s32 $0x40000, s3  }
.Ltmp0:
0x8: {  	[sflag:s5] =	ssyncpa.u1 $0x0;
	s7 =	sand.u32 $0xF80, s6;
	(pc) =	sbr.rel .LBB1_1-.Ltmp0, $4  }
0x9: {  	[sflag:s8] =	ssyncpa.u1 $0x0;
	p0 =	sne.s32 s7, $0x0;
	s7 =	simm.s32 $0x1  }
0xa: {  	s8 =	sadd.s32 $0xC01000, s9;
	s6 =	sshrl.u32 s6, $0xC;
	s7 =	simm.s32 @!p0 $0x0  }
0xb: {  	s12 =	smov.u32 s3;
	p0 =	por $0x0, $0x0;
	s6 =	sadd.s32 s7, s6  }
0xc: {  	s7 =	sadd.s32 $0x801000, s9;
	s9 =	sadd.s32 $0x1001000, s9;
	s10 =	sadd.s32 $0x1, s6  }
.LBB1_7:
0xd: {  	s17 =	sadd.s32 $0x1000, s12  }
0xe: {  	s15 =	sadd.s32 $0x4, s13;
	s19 =	smov.u32 s13;
	p2 =	sgt.s32 s17, $0x3FFFF  }
0xf: {  	s19 =	smov.u32 @p2 s15  }
0x10: {  	s17 =	smov.u32 @p2 s3;
	p2 =	sgt.s32 s19, $0x3  }
0x11: {  	s19 =	simm.s32 @p2 $0x0;
	p2 =	sne.s32 s14, s10  }
.Ltmp1:
0x12: {  	p1 =	slt.u32 s14, $0x2;
	(pc) =	sbr.rel @!p2 .LBB1_8-.Ltmp1, $4  }
0x13: {  	s18 =	simm.s32 @!p1 $0x2  }
0x14: {  	s16 =	smov.u32 s13;
	p0 =	por !p0, !p0;
	_ =	swait.ge @!p1 [sflag:s18], $0x4000  }
0x15: {  	s15 =	smov.u32 s12;
	[sflag:s18] =	ssyncset.done @!p1 $0x0;
	s12 =	smov.u32 s17  }
0x16: {  	s14 =	sadd.s32 $0x1, s14;
	[sflag:s18] =	ssyncadd.s32 @!p1 $0xFFFFC000;
	s13 =	smov.u32 s19  }
.LBB1_1:
0x17: {  	p1 =	sge.u32 s14, s6  }
0x18: {  	s17 =	sxor.u32 @!p1 $0xFFFFFFFF, s14  }
0x19: {  	s18 =	sshll.u32 @!p1 s13, $0x16;
	s19 =	sshll.u32 @!p1 s12, $0x4;
	s21 =	simm.s32 @!p1 $0x20  }
0x1a: {  	s17 =	sshll.u32 @!p1 s17, $0xE;
	s19 =	sand.u32 @!p1 $0x3FFFF0, s19;
	s20 =	sadd.s32 @!p1 s4, s18  }
0x1b: {  	s22 =	simm.s32 @!p1 $0x80;
	s17 =	sand.u32 @!p1 $0x4000, s17;
	s20 =	sadd.s32 @!p1 s19, s20  }
0x1c: {  	[tilespmem:s17], [sflag:$0x1] =	stream.strided.gather @!p1 [hbm4b:s20+s21], $0x1000, s22, s21, $0x38;
	[tilespmem:$0x10100] =	vst v63  }
0x1d: {  	s20 =	sadd.s32 @!p1 s18, s7  }
0x1e: {  	s23 =	sor.u32 @!p1 $0x1000, s17;
	s20 =	sadd.s32 @!p1 s19, s20  }
0x1f: {  	[tilespmem:s23], [sflag:$0x1] =	stream.strided.gather @!p1 [hbm4b:s20+s21], $0x1000, s22, s21, $0x38;
	[tilespmem:$0x10100] =	vst v63  }
0x20: {  	s20 =	sadd.s32 @!p1 s18, s8  }
0x21: {  	s23 =	sor.u32 @!p1 $0x2000, s17;
	s18 =	sadd.s32 @!p1 s18, s9;
	s20 =	sadd.s32 @!p1 s19, s20  }
0x22: {  	[tilespmem:s23], [sflag:$0x1] =	stream.strided.gather @!p1 [hbm4b:s20+s21], $0x1000, s22, s21, $0x38;
	[tilespmem:$0x10100] =	vst v63  }
0x23: {  	s31 =	sadd.s32 $0xFFFFFFFF, s14;
	s17 =	sor.u32 @!p1 $0x3000, s17;
	s18 =	sadd.s32 @!p1 s19, s18  }
0x24: {  	[tilespmem:s17], [sflag:$0x1] =	stream.strided.gather @!p1 [hbm4b:s18+s21], $0x1000, s22, s21, $0x38;
	[tilespmem:$0x10100] =	vst v63  }
0x25: {  	p1 =	sge.u32 s31, s6  }
.Ltmp2:
0x26: {  	_ = 	snop;
	(pc) =	sbr.rel @p1 .LBB1_7-.Ltmp2, $1  }
0x27: {  	_ =	sdelay $0x3  }
0x28: {  	s17 =	simm.s32 $0x1;
	s19 =	sand.u32 $0x1, s14  }
0x29: {  	_ =	swait.ge [sflag:s5], $0x4000;
	s17 =	simm.s32 @!p0 $0x0;
	s20 =	smul.u32 $0x10200, s19  }
0x2a: {  	[sflag:s5] =	ssyncset.done $0x0;
	s18 =	smul.u32 $0x10200, s17  }
0x2b: {  	s17 =	sshll.u32 s17, $0xE;
	[sflag:s5] =	ssyncadd.s32 $0xFFFFC000  }
0x2c: {  	s19 =	sor.u32 $0x10, s17;
	s31 =	sshrl.u32 s20, $0x2;
	s18 =	sshrl.u32 s18, $0x2  }
0x2d: {  	s20 =	simm.s32 $0x0;
	s17 =	sor.u32 $0x8000, s31;
	s18 =	sor.u32 $0x8000, s18  }
.LBB1_3:
0x2e: {  	v1 =	vld [tilespmem:s19+$0x0]  }
0x2f: {  	v0 =	vld [tilespmem:s19+$0xFFFFFFF0];
	_ =	sdelay $0x2  }
0x30: {  	s23 =	sadd.s32 $0x0, s18  }
0x31: {  	s21 =	simm.s32 $0x4;
	s22 =	sadd.s32 $0x20, s19;
	[tilespmem:s23+$0x810 ss:$0x81] =	vst.msk $0xffff, v1  }
.LBB1_4:
0x32: {  	v1 =	vld [tilespmem:s22+$0x0];
	p1 =	sne.s32 s21, $0x1FC;
	[tilespmem:s23+$0x0 ss:$0x81] =	vst.msk $0xffff, v0;
	s23 =	smov.u32 s21;
	s21 =	sadd.s32 $0x4, s21  }
.Ltmp3:
0x33: {  	v0 =	vld [tilespmem:s22+$0xFFFFFFF0];
	(pc) =	sbr.rel @p1 .LBB1_4-.Ltmp3, $4  }
0x34: {  	_ = 	snop  }
0x35: {  	s23 =	sshra.s32 s23, $0x2  }
0x36: {  	s23 =	sadd.s32 s23, s18  }
0x37: {  	s22 =	sadd.s32 $0x20, s22;
	[tilespmem:s23+$0x810 ss:$0x81] =	vst.msk $0xffff, v1  }
0x38: {  	s20 =	sadd.s32 $0x1, s20  }
0x39: {  	p1 =	sne.s32 s20, $0x4  }
.Ltmp4:
0x3a: {  	_ = 	snop;
	(pc) =	sbr.rel @p1 .LBB1_3-.Ltmp4, $2  }
0x3b: {  	_ =	sdelay $0x2  }
0x3c: {  	[tilespmem:s23+$0x0 ss:$0x81] =	vst.msk $0xffff, v0;
	s18 =	sadd.s32 $0x1020, s18;
	s19 =	sadd.s32 $0x1000, s19  }
0x3d: {  	s18 =	sshll.u32 s15, $0x3;
	s19 =	sand.u32 $0x78, s15;
	s16 =	sshll.u32 s16, $0x14  }
.Ltmp5:
0x3e: {  	s30 =	sand.u32 $0xF8000, s15;
	s18 =	sand.u32 $0x3FC00, s18;
	(pc) =	sbr.rel .LBB1_7-.Ltmp5, $4  }
0x3f: {  	s31 =	sand.u32 $0x7, s15;
	s16 =	sadd.s32 s2, s16;
	s18 =	sor.u32 s19, s18  }
0x40: {  	s15 =	sshll.u32 s31, $0x12;
	s16 =	sadd.s32 s30, s16;
	s18 =	sshrl.u32 s18, $0x3  }
0x41: {  	s15 =	sor.u32 $0x400, s15;
	s16 =	sadd.s32 s18, s16  }
0x42: {  	[hbm4b:s16+s15] =	stream.strided.scatter [tilespmem:s17], [sflag:$0x2], $0x4000, s11, s15, $0x20;
	[tilespmem:$0x10100] =	vst v63  }
.LBB1_8:
0x43: {  	_ =	sfence.sel $0x180000  }
0x44: {  	s2 =	simm.s32 $0x1;
	[bflag:$0x0] =	sbarrier.arrive $0xFFFF  }
0x45: {  	s31 =	simm.s32 $0x2;
	[sflag:s2] =	ssyncpa.u1 $0x1  }
0x46: {  	[sflag:s31] =	ssyncpa.u1 $0x1  }
0x47: {  	p0 =	sne.s32 s0, $0x0;
	_ =	strace $0x90000047  }
0x48: {  	s0 =	sadd.s32 @!p0 $0x100000, s1;
	[bflag:$0x2] =	sbarrier.arrive $0xFFFF  }
0x49: {  	[sflag:s0] =	ssyncadd.tile.s32 @!p0 $0x1;
	_ =	shalt  }
.Lfunc_end1:
_tile_overlayer_lowered:
.L_overlay_start_2:
0x4a: {  	(tag) =	ssettag $0x2  }
0x4b: {  	s0 =	rddreg [dreg:$0x0];
	s2 =	stileid.u32  }
0x4c: {  	s1 =	rddreg [dreg:$0x1];
	p0 =	sne.s32 s2, $0x0  }
0x4d: {  	s3 =	rddreg [dreg:$0x2];
	[bflag:$0x3] =	sbarrier.arrive $0xFFFF;
	s2 =	simm.s32 @!p0 $0x1C01  }
0x4e: {  	[timem:s3], [sflag:s2] =	dma.local @!p0 [hbm:s0], s1  }
0x4f: {  	s0 =	simm.s32 @!p0 $0x1  }
0x50: {  	_ =	swait.ge @!p0 [sflag:s0], s1  }
0x51: {  	s1 =	ssub.s32 @!p0 $0x0, s1;
	[sflag:s0] =	ssyncset.done @!p0 $0x0  }
0x52: {  	[sflag:s0] =	ssyncadd.s32 @!p0 s1  }
0x53: {  	[bflag:$0x3] =	sbarrier.arrive $0xFFFF  }
0x54: {  	_ =	shalt  }

</sc_bundles>
